<compile_context>
chip_gen: v7x
topology: tpu7x:2x2x1
jax: 0.10.2.dev20260603
libtpu: 0.0.44.dev20260713+nightly
codegen_flags: <defaults>
</compile_context>

<pallas_src>
import jax
import jax.numpy as jnp
from jax import lax
from jax.experimental import pallas as pl
from jax.experimental.pallas import tpu as pltpu
from jax.experimental.pallas import tpu_sc as plsc

B = 16384
F = 12
D_MODEL = 768
FACTOR_DIM = 64
KPAD = 16

BLK = 2048
NBLK = B // BLK
SC_BLOCKS = 1
TC_BLOCKS = NBLK - SC_BLOCKS
SC_ROWS = SC_BLOCKS * BLK
SC_ROW0 = TC_BLOCKS * BLK

NC, NS = 2, 16
NW = NC * NS
ROWS_W = SC_ROWS // NW
GROUPS = ROWS_W // 16



def _sc_body(idx_hbm, val_hbm, out_hbm, idx_v, val_v, wmat_v, sem):
    wid = lax.axis_index("s") * NC + lax.axis_index("c")
    c0 = SC_ROW0 + (wid // 2) * 128
    half = (wid % 2) * ROWS_W
    ci = pltpu.async_copy(idx_hbm.at[:, pl.ds(c0, 128)], idx_v, sem)
    cv = pltpu.async_copy(val_hbm.at[:, pl.ds(c0, 128)], val_v, sem)

    zeros = jnp.zeros((16,), jnp.float32)

    def zero_body(i, _):
        for j in range(8):
            wmat_v[i * 8 + j, :] = zeros
        return 0

    lax.fori_loop(0, ROWS_W // 8, zero_body, 0)

    ci.wait()
    cv.wait()

    lanes = lax.iota(jnp.int32, 16)

    def group_body(g, _):
        lb = g * 16 + lanes

        def f_body(f, _):
            iv = idx_v[f, pl.ds(half + g * 16, 16)]
            vv = val_v[f, pl.ds(half + g * 16, 16)]
            vv = jnp.minimum(jnp.maximum(vv, 0.0), 1.0)
            plsc.addupdate_scatter(wmat_v, [lb, iv], vv)
            return 0

        lax.fori_loop(0, F, f_body, 0)
        return 0

    lax.fori_loop(0, GROUPS, group_body, 0)

    pltpu.sync_copy(wmat_v, out_hbm.at[pl.ds(wid * ROWS_W, ROWS_W), :])


_sc_wmat = pl.kernel(
    _sc_body,
    out_type=jax.ShapeDtypeStruct((SC_ROWS, KPAD), jnp.float32),
    mesh=plsc.VectorSubcoreMesh(core_axis_name="c", subcore_axis_name="s"),
    compiler_params=pltpu.CompilerParams(needs_layout_passes=False),
    scratch_types=[
        pltpu.VMEM((F, 128), jnp.int32),
        pltpu.VMEM((F, 128), jnp.float32),
        pltpu.VMEM((ROWS_W, KPAD), jnp.float32),
        pltpu.SemaphoreType.DMA,
    ],
)


def _matmul_m(ftp_ref, wp_ref):
    return jnp.dot(ftp_ref[...], wp_ref[...],
                   preferred_element_type=jnp.float32)



def _proja_body(idxT_ref, valT_ref, ftp_ref, wp_ref, b_ref, out_ref):
    idxT = idxT_ref[...]
    vT = jnp.clip(valT_ref[...], 0.0, 1.0)
    rows = []
    for k in range(F):
        rows.append(jnp.sum(jnp.where(idxT == k, vT, 0.0),
                            axis=0, keepdims=True))
    rows.append(jnp.zeros((KPAD - F, idxT.shape[1]), jnp.float32))
    wmat_t = jnp.concatenate(rows, axis=0)
    m = _matmul_m(ftp_ref, wp_ref)
    out = lax.dot_general(wmat_t, m, (((0,), (0,)), ((), ())),
                          preferred_element_type=jnp.float32)
    out_ref[...] = out + b_ref[...]


BLKA = 2048


def _proja(idxT, valT, ft_pad, W_proj, b2d):
    return pl.pallas_call(
        _proja_body,
        grid=(SC_ROW0 // BLKA,),
        in_specs=[
            pl.BlockSpec((F, BLKA), lambda i: (0, i)),
            pl.BlockSpec((F, BLKA), lambda i: (0, i)),
            pl.BlockSpec((KPAD, FACTOR_DIM), lambda i: (0, 0)),
            pl.BlockSpec((FACTOR_DIM, D_MODEL), lambda i: (0, 0)),
            pl.BlockSpec((1, D_MODEL), lambda i: (0, 0)),
        ],
        out_specs=pl.BlockSpec((BLKA, D_MODEL), lambda i: (i, 0)),
        out_shape=jax.ShapeDtypeStruct((B, D_MODEL), jnp.float32),
    )(idxT, valT, ft_pad, W_proj, b2d)



def _projb_body(w_ref, ftp_ref, wp_ref, b_ref, outa_ref, out_ref):
    m = _matmul_m(ftp_ref, wp_ref)
    out_ref[...] = jnp.dot(w_ref[...], m,
                           preferred_element_type=jnp.float32) + b_ref[...]


BLKB = 2048


def _projb(wmat_sc, ft_pad, W_proj, b2d, outa):
    nb0 = SC_ROW0 // BLKB
    return pl.pallas_call(
        _projb_body,
        grid=(SC_ROWS // BLKB,),
        in_specs=[
            pl.BlockSpec((BLKB, KPAD), lambda i: (i, 0)),
            pl.BlockSpec((KPAD, FACTOR_DIM), lambda i: (0, 0)),
            pl.BlockSpec((FACTOR_DIM, D_MODEL), lambda i: (0, 0)),
            pl.BlockSpec((1, D_MODEL), lambda i: (0, 0)),
            pl.BlockSpec(memory_space=pl.ANY),
        ],
        out_specs=pl.BlockSpec((BLKB, D_MODEL),
                               lambda i: (i + nb0, 0)),
        out_shape=jax.ShapeDtypeStruct((B, D_MODEL), jnp.float32),
        input_output_aliases={4: 0},
    )(wmat_sc, ft_pad, W_proj, b2d, outa)


@jax.jit
def _run(indices, values, factor_table, W_proj, b_proj):
    idxT = indices.T
    valT = values.T
    wmat_sc = _sc_wmat(idxT, valT)
    ft_pad = jnp.pad(factor_table, ((0, KPAD - F), (0, 0)))
    b2d = b_proj.reshape(1, D_MODEL)
    outa = _proja(idxT, valT, ft_pad, W_proj, b2d)
    return _projb(wmat_sc, ft_pad, W_proj, b2d, outa)


def kernel(indices, values, factor_table, W_proj, b_proj):
    return _run(indices, values, factor_table, W_proj, b_proj)

# --- scband reference (transcript-rebuilt; emitter-appended) ---
"""Pipeline reference for scband-recipient-state-encoder-13460427506068 (READ-ONLY COPY).

The authoritative reference and input builder live on the scoring server;
editing this copy changes nothing except your own understanding.
"""

import jax, jax.numpy as jnp
import numpy as np

B = 16384
N_FACTORS = 12
D_MODEL = 768
FACTOR_DIM = D_MODEL // N_FACTORS  # 64


def setup_inputs(seed: int = 0) -> dict:
    key = jax.random.key(seed)
    k1, k2, k3, k4 = jax.random.split(key, 4)
    # each row is one 'state_dict': factor indices + factor values
    indices = jax.random.randint(k1, (B, N_FACTORS), 0, N_FACTORS)
    values = jax.random.uniform(k2, (B, N_FACTORS), dtype=jnp.float32)
    # learned parameters per init_kwargs
    factor_table = jax.random.normal(k3, (N_FACTORS, FACTOR_DIM), dtype=jnp.float32) * 0.02
    W_proj = jax.random.normal(k4, (FACTOR_DIM, D_MODEL), dtype=jnp.float32) * 0.02
    b_proj = jnp.zeros((D_MODEL,), dtype=jnp.float32)
    return {"indices": indices, "values": values, "factor_table": factor_table, "W_proj": W_proj, "b_proj": b_proj}


def reference(indices, values, factor_table, W_proj, b_proj):
    # torch: values = clamp(values, 0, 1).unsqueeze(-1)
    vals = jnp.clip(values, 0.0, 1.0)[..., None]            # [B, F, 1]
    # torch: emb = factor_embeddings(indices) * values
    emb = jnp.take(factor_table, indices, axis=0) * vals     # [B, F, 64]
    # torch: emb.sum(dim=0, keepdim=True) -> per-state sum over factors
    emb = jnp.sum(emb, axis=1)                               # [B, 64]
    # torch: projector(emb) = emb @ W.T + b (W stored as [64, 768] here)
    return emb @ W_proj + b_proj                             # [B, 768]

if __name__ == "__main__":
    import jax
    _d = setup_inputs()
    print(jax.jit(kernel)(*tuple(_d.values())))

</pallas_src>

<mosaic_0001>
#map = affine_map<(d0, d1) -> (0, 0)>
module attributes {stable_mosaic.version = 14 : i64} {
  func.func @_sc_body(%arg0: i32, %arg1: i32, %arg2: memref<12x16384xi32, #tpu.memory_space<hbm>>, %arg3: memref<12x16384xf32, #tpu.memory_space<hbm>>, %arg4: memref<2048x16xf32, #tpu.memory_space<hbm>>, %arg5: memref<12x128xi32, #tpu.memory_space<vmem>>, %arg6: memref<12x128xf32, #tpu.memory_space<vmem>>, %arg7: memref<64x16xf32, #tpu.memory_space<vmem>>, %arg8: memref<!tpu.dma_semaphore, #tpu.memory_space<semaphore_mem>>) attributes {dimension_semantics = [#tpu.dimension_semantics<core_parallel>, #tpu.dimension_semantics<subcore_parallel>], iteration_bounds = array<i64: 2, 16>, scalar_prefetch = 0 : i64, scratch_operands = 4 : i64, tpu.core_type = #tpu.core_type<sc_vector_subcore>, window_params = [{transform_indices = #map}, {transform_indices = #map}, {transform_indices = #map}]} {
    %mul3A = arith.constant 2 : i32
    %mul3A_0 = arith.muli %arg1, %mul3A : i32
    %add3A = arith.addi %mul3A_0, %arg0 : i32
    %jit3A = arith.constant 2 : i32
    %div3A = arith.divsi %add3A, %jit3A : i32
    %sign3A = arith.constant 0 : i32
    %sign3A_1 = arith.cmpi sgt, %add3A, %sign3A : i32
    %sign3A_2 = arith.extui %sign3A_1 : i1 to i32
    %sign3A_3 = arith.constant 0 : i32
    %sign3A_4 = arith.cmpi slt, %add3A, %sign3A_3 : i32
    %sign3A_5 = arith.extui %sign3A_4 : i1 to i32
    %sign3A_6 = arith.subi %sign3A_2, %sign3A_5 : i32
    %sign3A_7 = arith.constant 0 : i32
    %sign3A_8 = arith.cmpi sgt, %jit3A, %sign3A_7 : i32
    %sign3A_9 = arith.extui %sign3A_8 : i1 to i32
    %sign3A_10 = arith.constant 0 : i32
    %sign3A_11 = arith.cmpi slt, %jit3A, %sign3A_10 : i32
    %sign3A_12 = arith.extui %sign3A_11 : i1 to i32
    %sign3A_13 = arith.subi %sign3A_9, %sign3A_12 : i32
    %ne3A = arith.cmpi ne, %sign3A_6, %sign3A_13 : i32
    %rem3A = arith.remsi %add3A, %jit3A : i32
    %ne3A_14 = arith.constant 0 : i32
    %ne3A_15 = arith.cmpi ne, %rem3A, %ne3A_14 : i32
    %and3A = arith.andi %ne3A, %ne3A_15 : i1
    %sub3A = arith.constant 1 : i32
    %sub3A_16 = arith.subi %div3A, %sub3A : i32
    %select_n3A = arith.select %and3A, %sub3A_16, %div3A : i32
    %mul3A_17 = arith.constant 128 : i32
    %mul3A_18 = arith.muli %select_n3A, %mul3A_17 : i32
    %add3A_19 = arith.constant 14336 : i32
    %add3A_20 = arith.addi %add3A_19, %mul3A_18 : i32
    %jit3A_21 = arith.constant 2 : i32
    %eq3A = arith.constant 0 : i32
    %eq3A_22 = arith.cmpi eq, %jit3A_21, %eq3A : i32
    %jit3A_23 = arith.constant 1 : i32
    %select_n3A_24 = arith.select %eq3A_22, %jit3A_23, %jit3A_21 : i32
    %rem3A_25 = arith.remsi %add3A, %select_n3A_24 : i32
    %ne3A_26 = arith.constant 0 : i32
    %ne3A_27 = arith.cmpi ne, %rem3A_25, %ne3A_26 : i32
    %lt3A = arith.constant 0 : i32
    %lt3A_28 = arith.cmpi slt, %rem3A_25, %lt3A : i32
    %lt3A_29 = arith.constant 0 : i32
    %lt3A_30 = arith.cmpi slt, %select_n3A_24, %lt3A_29 : i32
    %ne3A_31 = arith.xori %lt3A_28, %lt3A_30 : i1
    %and3A_32 = arith.andi %ne3A_31, %ne3A_27 : i1
    %add3A_33 = arith.addi %rem3A_25, %select_n3A_24 : i32
    %select_n3A_34 = arith.select %and3A_32, %add3A_33, %rem3A_25 : i32
    %mul3A_35 = arith.constant 64 : i32
    %mul3A_36 = arith.muli %select_n3A_34, %mul3A_35 : i32
    %dma_start3A = arith.constant 0 : i32
    %dma_start3A_37 = tpu.memref_slice %arg2[%dma_start3A, %add3A_20] : memref<12x16384xi32, #tpu.memory_space<hbm>> -> memref<12x128xi32, #tpu.memory_space<hbm>>
    %dma_start3A_38 = arith.constant 0 : i32
    %dma_start3A_39 = tpu.memref_slice %arg2[%dma_start3A_38, %add3A_20] : memref<12x16384xi32, #tpu.memory_space<hbm>> -> memref<12x128xi32, #tpu.memory_space<hbm>>
    tpu.enqueue_dma source(%dma_start3A_39 : memref<12x128xi32, #tpu.memory_space<hbm>>) target(%arg5 : memref<12x128xi32, #tpu.memory_space<vmem>>) target_semaphore(%arg8 : memref<!tpu.dma_semaphore, #tpu.memory_space<semaphore_mem>>)
    %dma_start3A_40 = arith.constant 0 : i32
    %dma_start3A_41 = tpu.memref_slice %arg3[%dma_start3A_40, %add3A_20] : memref<12x16384xf32, #tpu.memory_space<hbm>> -> memref<12x128xf32, #tpu.memory_space<hbm>>
    %dma_start3A_42 = arith.constant 0 : i32
    %dma_start3A_43 = tpu.memref_slice %arg3[%dma_start3A_42, %add3A_20] : memref<12x16384xf32, #tpu.memory_space<hbm>> -> memref<12x128xf32, #tpu.memory_space<hbm>>
    tpu.enqueue_dma source(%dma_start3A_43 : memref<12x128xf32, #tpu.memory_space<hbm>>) target(%arg6 : memref<12x128xf32, #tpu.memory_space<vmem>>) target_semaphore(%arg8 : memref<!tpu.dma_semaphore, #tpu.memory_space<semaphore_mem>>)
    %broadcast_in_dim3A = arith.constant 0.000000e+00 : f32
    %broadcast_in_dim3A_44 = vector.broadcast %broadcast_in_dim3A : f32 to vector<16xf32>
    %scan3A = arith.constant 0 : i32
    %scan3A_45 = arith.constant 0 : i32
    %scan3A_46 = arith.constant 8 : i32
    %scan3A_47 = arith.addi %scan3A_45, %scan3A_46 : i32
    %scan3A_48 = arith.constant 1 : i32
    %scan3A_49 = scf.for %scan3A_67 = %scan3A_45 to %scan3A_47 step %scan3A_48 iter_args(%scan3A_68 = %scan3A) -> (i32)  : i32 {
      %mul3A_69 = arith.constant 8 : i32
      %mul3A_70 = arith.muli %scan3A_67, %mul3A_69 : i32
      %add3A_71 = arith.constant 0 : i32
      %add3A_72 = arith.addi %mul3A_70, %add3A_71 : i32
      %swap3A = arith.index_cast %add3A_72 : i32 to index
      %swap3A_73 = arith.constant 0 : index
      %swap3A_74 = tpu.vector_load %arg7[%swap3A, %swap3A_73] {strides = array<i32>} : memref<64x16xf32, #tpu.memory_space<vmem>>, vector<16xf32>,
      tpu.vector_store %arg7[%swap3A, %swap3A_73], %broadcast_in_dim3A_44 {strides = array<i32>} : memref<64x16xf32, #tpu.memory_space<vmem>>, vector<16xf32>,
      %mul3A_75 = arith.constant 8 : i32
      %mul3A_76 = arith.muli %scan3A_67, %mul3A_75 : i32
      %add3A_77 = arith.constant 1 : i32
      %add3A_78 = arith.addi %mul3A_76, %add3A_77 : i32
      %swap3A_79 = arith.index_cast %add3A_78 : i32 to index
      %swap3A_80 = arith.constant 0 : index
      %swap3A_81 = tpu.vector_load %arg7[%swap3A_79, %swap3A_80] {strides = array<i32>} : memref<64x16xf32, #tpu.memory_space<vmem>>, vector<16xf32>,
      tpu.vector_store %arg7[%swap3A_79, %swap3A_80], %broadcast_in_dim3A_44 {strides = array<i32>} : memref<64x16xf32, #tpu.memory_space<vmem>>, vector<16xf32>,
      %mul3A_82 = arith.constant 8 : i32
      %mul3A_83 = arith.muli %scan3A_67, %mul3A_82 : i32
      %add3A_84 = arith.constant 2 : i32
      %add3A_85 = arith.addi %mul3A_83, %add3A_84 : i32
      %swap3A_86 = arith.index_cast %add3A_85 : i32 to index
      %swap3A_87 = arith.constant 0 : index
      %swap3A_88 = tpu.vector_load %arg7[%swap3A_86, %swap3A_87] {strides = array<i32>} : memref<64x16xf32, #tpu.memory_space<vmem>>, vector<16xf32>,
      tpu.vector_store %arg7[%swap3A_86, %swap3A_87], %broadcast_in_dim3A_44 {strides = array<i32>} : memref<64x16xf32, #tpu.memory_space<vmem>>, vector<16xf32>,
      %mul3A_89 = arith.constant 8 : i32
      %mul3A_90 = arith.muli %scan3A_67, %mul3A_89 : i32
      %add3A_91 = arith.constant 3 : i32
      %add3A_92 = arith.addi %mul3A_90, %add3A_91 : i32
      %swap3A_93 = arith.index_cast %add3A_92 : i32 to index
      %swap3A_94 = arith.constant 0 : index
      %swap3A_95 = tpu.vector_load %arg7[%swap3A_93, %swap3A_94] {strides = array<i32>} : memref<64x16xf32, #tpu.memory_space<vmem>>, vector<16xf32>,
      tpu.vector_store %arg7[%swap3A_93, %swap3A_94], %broadcast_in_dim3A_44 {strides = array<i32>} : memref<64x16xf32, #tpu.memory_space<vmem>>, vector<16xf32>,
      %mul3A_96 = arith.constant 8 : i32
      %mul3A_97 = arith.muli %scan3A_67, %mul3A_96 : i32
      %add3A_98 = arith.constant 4 : i32
      %add3A_99 = arith.addi %mul3A_97, %add3A_98 : i32
      %swap3A_100 = arith.index_cast %add3A_99 : i32 to index
      %swap3A_101 = arith.constant 0 : index
      %swap3A_102 = tpu.vector_load %arg7[%swap3A_100, %swap3A_101] {strides = array<i32>} : memref<64x16xf32, #tpu.memory_space<vmem>>, vector<16xf32>,
      tpu.vector_store %arg7[%swap3A_100, %swap3A_101], %broadcast_in_dim3A_44 {strides = array<i32>} : memref<64x16xf32, #tpu.memory_space<vmem>>, vector<16xf32>,
      %mul3A_103 = arith.constant 8 : i32
      %mul3A_104 = arith.muli %scan3A_67, %mul3A_103 : i32
      %add3A_105 = arith.constant 5 : i32
      %add3A_106 = arith.addi %mul3A_104, %add3A_105 : i32
      %swap3A_107 = arith.index_cast %add3A_106 : i32 to index
      %swap3A_108 = arith.constant 0 : index
      %swap3A_109 = tpu.vector_load %arg7[%swap3A_107, %swap3A_108] {strides = array<i32>} : memref<64x16xf32, #tpu.memory_space<vmem>>, vector<16xf32>,
      tpu.vector_store %arg7[%swap3A_107, %swap3A_108], %broadcast_in_dim3A_44 {strides = array<i32>} : memref<64x16xf32, #tpu.memory_space<vmem>>, vector<16xf32>,
      %mul3A_110 = arith.constant 8 : i32
      %mul3A_111 = arith.muli %scan3A_67, %mul3A_110 : i32
      %add3A_112 = arith.constant 6 : i32
      %add3A_113 = arith.addi %mul3A_111, %add3A_112 : i32
      %swap3A_114 = arith.index_cast %add3A_113 : i32 to index
      %swap3A_115 = arith.constant 0 : index
      %swap3A_116 = tpu.vector_load %arg7[%swap3A_114, %swap3A_115] {strides = array<i32>} : memref<64x16xf32, #tpu.memory_space<vmem>>, vector<16xf32>,
      tpu.vector_store %arg7[%swap3A_114, %swap3A_115], %broadcast_in_dim3A_44 {strides = array<i32>} : memref<64x16xf32, #tpu.memory_space<vmem>>, vector<16xf32>,
      %mul3A_117 = arith.constant 8 : i32
      %mul3A_118 = arith.muli %scan3A_67, %mul3A_117 : i32
      %add3A_119 = arith.constant 7 : i32
      %add3A_120 = arith.addi %mul3A_118, %add3A_119 : i32
      %swap3A_121 = arith.index_cast %add3A_120 : i32 to index
      %swap3A_122 = arith.constant 0 : index
      %swap3A_123 = tpu.vector_load %arg7[%swap3A_121, %swap3A_122] {strides = array<i32>} : memref<64x16xf32, #tpu.memory_space<vmem>>, vector<16xf32>,
      tpu.vector_store %arg7[%swap3A_121, %swap3A_122], %broadcast_in_dim3A_44 {strides = array<i32>} : memref<64x16xf32, #tpu.memory_space<vmem>>, vector<16xf32>,
      %scan3A_124 = arith.constant 0 : i32
      scf.yield %scan3A_124 : i32
    }
    %scan3A_50 = arith.constant 8 : i32
    %dma_wait3A = arith.constant 0 : i32
    %dma_wait3A_51 = tpu.memref_slice %arg2[%dma_wait3A, %add3A_20] : memref<12x16384xi32, #tpu.memory_space<hbm>> -> memref<12x128xi32, #tpu.memory_space<hbm>>
    %dma_wait3A_52 = arith.constant 0 : i32
    %dma_wait3A_53 = tpu.memref_slice %arg2[%dma_wait3A_52, %add3A_20] : memref<12x16384xi32, #tpu.memory_space<hbm>> -> memref<12x128xi32, #tpu.memory_space<hbm>>
    tpu.wait_dma2 semaphore(%arg8 : memref<!tpu.dma_semaphore, #tpu.memory_space<semaphore_mem>>) src(%dma_wait3A_53 : memref<12x128xi32, #tpu.memory_space<hbm>>) dst(%arg5 : memref<12x128xi32, #tpu.memory_space<vmem>>)
    %dma_wait3A_54 = arith.constant 0 : i32
    %dma_wait3A_55 = tpu.memref_slice %arg3[%dma_wait3A_54, %add3A_20] : memref<12x16384xf32, #tpu.memory_space<hbm>> -> memref<12x128xf32, #tpu.memory_space<hbm>>
    %dma_wait3A_56 = arith.constant 0 : i32
    %dma_wait3A_57 = tpu.memref_slice %arg3[%dma_wait3A_56, %add3A_20] : memref<12x16384xf32, #tpu.memory_space<hbm>> -> memref<12x128xf32, #tpu.memory_space<hbm>>
    tpu.wait_dma2 semaphore(%arg8 : memref<!tpu.dma_semaphore, #tpu.memory_space<semaphore_mem>>) src(%dma_wait3A_57 : memref<12x128xf32, #tpu.memory_space<hbm>>) dst(%arg6 : memref<12x128xf32, #tpu.memory_space<vmem>>)
    %iota3A = tpu.iota {dimensions = array<i32: 0>} : vector<16xi32>
    %scan3A_58 = arith.constant 0 : i32
    %scan3A_59 = arith.constant 0 : i32
    %scan3A_60 = arith.constant 4 : i32
    %scan3A_61 = arith.addi %scan3A_59, %scan3A_60 : i32
    %scan3A_62 = arith.constant 1 : i32
    %scan3A_63 = scf.for %scan3A_67 = %scan3A_59 to %scan3A_61 step %scan3A_62 iter_args(%scan3A_68 = %scan3A_58) -> (i32)  : i32 {
      %mul3A_69 = arith.constant 16 : i32
      %mul3A_70 = arith.muli %scan3A_67, %mul3A_69 : i32
      %add3A_71 = vector.broadcast %mul3A_70 : i32 to vector<16xi32>
      %add3A_72 = arith.addi %add3A_71, %iota3A : vector<16xi32>
      %scan3A_73 = arith.constant 0 : i32
      %scan3A_74 = arith.constant 0 : i32
      %scan3A_75 = arith.constant 12 : i32
      %scan3A_76 = arith.addi %scan3A_74, %scan3A_75 : i32
      %scan3A_77 = arith.constant 1 : i32
      %scan3A_78 = scf.for %scan3A_81 = %scan3A_74 to %scan3A_76 step %scan3A_77 iter_args(%scan3A_82 = %scan3A_73) -> (i32)  : i32 {
        %mul3A_83 = arith.constant 16 : i32
        %mul3A_84 = arith.muli %scan3A_67, %mul3A_83 : i32
        %add3A_85 = arith.addi %mul3A_36, %mul3A_84 : i32
        %get3A = arith.index_cast %scan3A_81 : i32 to index
        %get3A_86 = arith.index_cast %add3A_85 : i32 to index
        %get3A_87 = tpu.vector_load %arg5[%get3A, %get3A_86] {strides = array<i32>} : memref<12x128xi32, #tpu.memory_space<vmem>>, vector<16xi32>,
        %mul3A_88 = arith.constant 16 : i32
        %mul3A_89 = arith.muli %scan3A_67, %mul3A_88 : i32
        %add3A_90 = arith.addi %mul3A_36, %mul3A_89 : i32
        %get3A_91 = arith.index_cast %scan3A_81 : i32 to index
        %get3A_92 = arith.index_cast %add3A_90 : i32 to index
        %get3A_93 = tpu.vector_load %arg6[%get3A_91, %get3A_92] {strides = array<i32>} : memref<12x128xf32, #tpu.memory_space<vmem>>, vector<16xf32>,
        %max3A = arith.constant 0.000000e+00 : f32
        %max3A_94 = vector.broadcast %max3A : f32 to vector<16xf32>
        %max3A_95 = arith.maximumf %get3A_93, %max3A_94 : vector<16xf32>
        %min3A = arith.constant 1.000000e+00 : f32
        %min3A_96 = vector.broadcast %min3A : f32 to vector<16xf32>
        %min3A_97 = arith.minimumf %max3A_95, %min3A_96 : vector<16xf32>
        tpu.vector_store_idx %arg7[%add3A_72, %get3A_87], %min3A_97 {add = true} : memref<64x16xf32, #tpu.memory_space<vmem>>[vector<16xi32>, vector<16xi32>], vector<16xf32>,
        %scan3A_98 = arith.constant 0 : i32
        scf.yield %scan3A_98 : i32
      }
      %scan3A_79 = arith.constant 12 : i32
      %scan3A_80 = arith.constant 0 : i32
      scf.yield %scan3A_80 : i32
    }
    %scan3A_64 = arith.constant 4 : i32
    %mul3A_65 = arith.constant 64 : i32
    %mul3A_66 = arith.muli %add3A, %mul3A_65 : i32
    "tpu.region"() ({
      %run_scoped3A = tpu.sem_alloc : memref<!tpu.dma_semaphore, #tpu.memory_space<semaphore_mem>>
      %dma_start3A_67 = arith.constant 0 : i32
      %dma_start3A_68 = tpu.memref_slice %arg4[%mul3A_66, %dma_start3A_67] : memref<2048x16xf32, #tpu.memory_space<hbm>> -> memref<64x16xf32, #tpu.memory_space<hbm>>
      %dma_start3A_69 = arith.constant 0 : i32
      %dma_start3A_70 = tpu.memref_slice %arg4[%mul3A_66, %dma_start3A_69] : memref<2048x16xf32, #tpu.memory_space<hbm>> -> memref<64x16xf32, #tpu.memory_space<hbm>>
      tpu.enqueue_dma source(%arg7 : memref<64x16xf32, #tpu.memory_space<vmem>>) target(%dma_start3A_70 : memref<64x16xf32, #tpu.memory_space<hbm>>) target_semaphore(%run_scoped3A : memref<!tpu.dma_semaphore, #tpu.memory_space<semaphore_mem>>)
      %dma_wait3A_71 = arith.constant 0 : i32
      %dma_wait3A_72 = tpu.memref_slice %arg4[%mul3A_66, %dma_wait3A_71] : memref<2048x16xf32, #tpu.memory_space<hbm>> -> memref<64x16xf32, #tpu.memory_space<hbm>>
      %dma_wait3A_73 = arith.constant 0 : i32
      %dma_wait3A_74 = tpu.memref_slice %arg4[%mul3A_66, %dma_wait3A_73] : memref<2048x16xf32, #tpu.memory_space<hbm>> -> memref<64x16xf32, #tpu.memory_space<hbm>>
      tpu.wait_dma2 semaphore(%run_scoped3A : memref<!tpu.dma_semaphore, #tpu.memory_space<semaphore_mem>>) src(%arg7 : memref<64x16xf32, #tpu.memory_space<vmem>>) dst(%dma_wait3A_74 : memref<64x16xf32, #tpu.memory_space<hbm>>)
      tpu.yield
    }) : () -> ()
    return
  }
}

module attributes {stable_mosaic.version = 14 : i64} {
  func.func @_projb_body(%arg0: i32, %arg1: memref<2048x16xf32, #tpu.memory_space<vmem>>, %arg2: memref<16x64xf32, #tpu.memory_space<vmem>>, %arg3: memref<64x768xf32, #tpu.memory_space<vmem>>, %arg4: memref<1x768xf32, #tpu.memory_space<vmem>>, %arg5: memref<16384x768xf32, #tpu.memory_space<any>>, %arg6: memref<2048x768xf32, #tpu.memory_space<vmem>>) attributes {dimension_semantics = [#tpu.dimension_semantics<arbitrary>], iteration_bounds = array<i64: 1>, scalar_prefetch = 0 : i64, scratch_operands = 0 : i64, tpu.core_type = #tpu.core_type<tc>, window_params = [{transform_indices = @transform_0, window_bounds = array<i64: 2048, 16>}, {pipeline_mode = #tpu.pipeline_mode<synchronous>, transform_indices = @transform_1, window_bounds = array<i64: 16, 64>}, {pipeline_mode = #tpu.pipeline_mode<synchronous>, transform_indices = @transform_2, window_bounds = array<i64: 64, 768>}, {pipeline_mode = #tpu.pipeline_mode<synchronous>, transform_indices = @transform_3, window_bounds = array<i64: 1, 768>}, {}, {transform_indices = @transform_5, window_bounds = array<i64: 2048, 768>}]} {
    %get3A = arith.constant 0 : index
    %get3A_0 = arith.constant 0 : index
    %get3A_1 = vector.load %arg2[%get3A, %get3A_0] : memref<16x64xf32, #tpu.memory_space<vmem>>, vector<16x64xf32>
    %get3A_2 = arith.constant 0 : index
    %get3A_3 = arith.constant 0 : index
    %get3A_4 = vector.load %arg3[%get3A_2, %get3A_3] : memref<64x768xf32, #tpu.memory_space<vmem>>, vector<64x768xf32>
    %dot_general3A = arith.constant dense<0.000000e+00> : vector<16x768xf32>
    %dot_general3A_5 = tpu.matmul %get3A_1, %get3A_4, %dot_general3A {dimension_numbers = #tpu.dot_dimension_numbers<[1], [0], [0], [1], [0, 0, 1, 1], [], []>, transpose_lhs_hint = false} : vector<16x64xf32>, vector<64x768xf32>, vector<16x768xf32> -> vector<16x768xf32>
    %get3A_6 = arith.constant 0 : index
    %get3A_7 = arith.constant 0 : index
    %get3A_8 = vector.load %arg1[%get3A_6, %get3A_7] : memref<2048x16xf32, #tpu.memory_space<vmem>>, vector<2048x16xf32>
    %dot_general3A_9 = arith.constant dense<0.000000e+00> : vector<2048x768xf32>
    %dot_general3A_10 = tpu.matmul %get3A_8, %dot_general3A_5, %dot_general3A_9 {dimension_numbers = #tpu.dot_dimension_numbers<[1], [0], [0], [1], [0, 0, 1, 1], [], []>, transpose_lhs_hint = false} : vector<2048x16xf32>, vector<16x768xf32>, vector<2048x768xf32> -> vector<2048x768xf32>
    %get3A_11 = arith.constant 0 : index
    %get3A_12 = arith.constant 0 : index
    %get3A_13 = vector.load %arg4[%get3A_11, %get3A_12] : memref<1x768xf32, #tpu.memory_space<vmem>>, vector<1x768xf32>
    %add3A = vector.broadcast %get3A_13 : vector<1x768xf32> to vector<2048x768xf32>
    %add3A_14 = arith.addf %dot_general3A_10, %add3A : vector<2048x768xf32>
    %swap3A = arith.constant 0 : index
    %swap3A_15 = arith.constant 0 : index
    %swap3A_16 = vector.load %arg6[%swap3A, %swap3A_15] : memref<2048x768xf32, #tpu.memory_space<vmem>>, vector<2048x768xf32>
    tpu.vector_store %arg6[%swap3A, %swap3A_15], %add3A_14 {strides = array<i32>} : memref<2048x768xf32, #tpu.memory_space<vmem>>, vector<2048x768xf32>,
    return
  }
  func.func @transform_0(%arg0: i32) -> (i32, i32) {
    %c0_i32 = arith.constant 0 : i32
    %c0_i32_0 = arith.constant 0 : i32
    return %arg0, %c0_i32 : i32, i32
  }
  func.func @transform_1(%arg0: i32) -> (i32, i32) {
    %c0_i32 = arith.constant 0 : i32
    %c0_i32_0 = arith.constant 0 : i32
    %c0_i32_1 = arith.constant 0 : i32
    return %c0_i32, %c0_i32_0 : i32, i32
  }
  func.func @transform_2(%arg0: i32) -> (i32, i32) {
    %c0_i32 = arith.constant 0 : i32
    %c0_i32_0 = arith.constant 0 : i32
    %c0_i32_1 = arith.constant 0 : i32
    return %c0_i32, %c0_i32_0 : i32, i32
  }
  func.func @transform_3(%arg0: i32) -> (i32, i32) {
    %c0_i32 = arith.constant 0 : i32
    %c0_i32_0 = arith.constant 0 : i32
    %c0_i32_1 = arith.constant 0 : i32
    return %c0_i32, %c0_i32_0 : i32, i32
  }
  func.func @transform_5(%arg0: i32) -> (i32, i32) {
    %add3A = arith.constant 7 : i32
    %add3A_0 = arith.addi %arg0, %add3A : i32
    %c0_i32 = arith.constant 0 : i32
    %c0_i32_1 = arith.constant 0 : i32
    return %add3A_0, %c0_i32 : i32, i32
  }
}

module attributes {stable_mosaic.version = 14 : i64} {
  func.func @_proja_body(%arg0: i32, %arg1: memref<12x2048xi32, #tpu.memory_space<vmem>>, %arg2: memref<12x2048xf32, #tpu.memory_space<vmem>>, %arg3: memref<16x64xf32, #tpu.memory_space<vmem>>, %arg4: memref<64x768xf32, #tpu.memory_space<vmem>>, %arg5: memref<1x768xf32, #tpu.memory_space<vmem>>, %arg6: memref<2048x768xf32, #tpu.memory_space<vmem>>) attributes {dimension_semantics = [#tpu.dimension_semantics<arbitrary>], iteration_bounds = array<i64: 7>, scalar_prefetch = 0 : i64, scratch_operands = 0 : i64, tpu.core_type = #tpu.core_type<tc>, window_params = [{transform_indices = @transform_0, window_bounds = array<i64: 12, 2048>}, {transform_indices = @transform_1, window_bounds = array<i64: 12, 2048>}, {pipeline_mode = #tpu.pipeline_mode<synchronous>, transform_indices = @transform_2, window_bounds = array<i64: 16, 64>}, {pipeline_mode = #tpu.pipeline_mode<synchronous>, transform_indices = @transform_3, window_bounds = array<i64: 64, 768>}, {pipeline_mode = #tpu.pipeline_mode<synchronous>, transform_indices = @transform_4, window_bounds = array<i64: 1, 768>}, {transform_indices = @transform_5, window_bounds = array<i64: 2048, 768>}]} {
    %get3A = arith.constant 0 : index
    %get3A_0 = arith.constant 0 : index
    %get3A_1 = vector.load %arg1[%get3A, %get3A_0] : memref<12x2048xi32, #tpu.memory_space<vmem>>, vector<12x2048xi32>
    %get3A_2 = arith.constant 0 : index
    %get3A_3 = arith.constant 0 : index
    %get3A_4 = vector.load %arg2[%get3A_2, %get3A_3] : memref<12x2048xf32, #tpu.memory_space<vmem>>, vector<12x2048xf32>
    %jit3A = arith.constant 0.000000e+00 : f32
    %jit3A_5 = arith.constant 1.000000e+00 : f32
    %max3A = vector.broadcast %jit3A : f32 to vector<12x2048xf32>
    %max3A_6 = arith.maximumf %max3A, %get3A_4 : vector<12x2048xf32>
    %min3A = vector.broadcast %jit3A_5 : f32 to vector<12x2048xf32>
    %min3A_7 = arith.minimumf %min3A, %max3A_6 : vector<12x2048xf32>
    %eq3A = arith.constant 0 : i32
    %eq3A_8 = vector.broadcast %eq3A : i32 to vector<12x2048xi32>
    %eq3A_9 = arith.cmpi eq, %get3A_1, %eq3A_8 : vector<12x2048xi32>
    %jit3A_10 = arith.constant 0.000000e+00 : f32
    %broadcast_in_dim3A = vector.broadcast %jit3A_10 : f32 to vector<12x2048xf32>
    %select_n3A = arith.select %eq3A_9, %min3A_7, %broadcast_in_dim3A : vector<12x2048xi1>, vector<12x2048xf32>
    %reduce_sum3A = arith.constant dense<0.000000e+00> : vector<2048xf32>
    %reduce_sum3A_11 = vector.multi_reduction <add>, %select_n3A, %reduce_sum3A [0] : vector<12x2048xf32> to vector<2048xf32>
    %broadcast_in_dim3A_12 = vector.shape_cast %reduce_sum3A_11 : vector<2048xf32> to vector<1x2048xf32>
    %eq3A_13 = arith.constant 1 : i32
    %eq3A_14 = vector.broadcast %eq3A_13 : i32 to vector<12x2048xi32>
    %eq3A_15 = arith.cmpi eq, %get3A_1, %eq3A_14 : vector<12x2048xi32>
    %jit3A_16 = arith.constant 0.000000e+00 : f32
    %broadcast_in_dim3A_17 = vector.broadcast %jit3A_16 : f32 to vector<12x2048xf32>
    %select_n3A_18 = arith.select %eq3A_15, %min3A_7, %broadcast_in_dim3A_17 : vector<12x2048xi1>, vector<12x2048xf32>
    %reduce_sum3A_19 = arith.constant dense<0.000000e+00> : vector<2048xf32>
    %reduce_sum3A_20 = vector.multi_reduction <add>, %select_n3A_18, %reduce_sum3A_19 [0] : vector<12x2048xf32> to vector<2048xf32>
    %broadcast_in_dim3A_21 = vector.shape_cast %reduce_sum3A_20 : vector<2048xf32> to vector<1x2048xf32>
    %eq3A_22 = arith.constant 2 : i32
    %eq3A_23 = vector.broadcast %eq3A_22 : i32 to vector<12x2048xi32>
    %eq3A_24 = arith.cmpi eq, %get3A_1, %eq3A_23 : vector<12x2048xi32>
    %jit3A_25 = arith.constant 0.000000e+00 : f32
    %broadcast_in_dim3A_26 = vector.broadcast %jit3A_25 : f32 to vector<12x2048xf32>
    %select_n3A_27 = arith.select %eq3A_24, %min3A_7, %broadcast_in_dim3A_26 : vector<12x2048xi1>, vector<12x2048xf32>
    %reduce_sum3A_28 = arith.constant dense<0.000000e+00> : vector<2048xf32>
    %reduce_sum3A_29 = vector.multi_reduction <add>, %select_n3A_27, %reduce_sum3A_28 [0] : vector<12x2048xf32> to vector<2048xf32>
    %broadcast_in_dim3A_30 = vector.shape_cast %reduce_sum3A_29 : vector<2048xf32> to vector<1x2048xf32>
    %eq3A_31 = arith.constant 3 : i32
    %eq3A_32 = vector.broadcast %eq3A_31 : i32 to vector<12x2048xi32>
    %eq3A_33 = arith.cmpi eq, %get3A_1, %eq3A_32 : vector<12x2048xi32>
    %jit3A_34 = arith.constant 0.000000e+00 : f32
    %broadcast_in_dim3A_35 = vector.broadcast %jit3A_34 : f32 to vector<12x2048xf32>
    %select_n3A_36 = arith.select %eq3A_33, %min3A_7, %broadcast_in_dim3A_35 : vector<12x2048xi1>, vector<12x2048xf32>
    %reduce_sum3A_37 = arith.constant dense<0.000000e+00> : vector<2048xf32>
    %reduce_sum3A_38 = vector.multi_reduction <add>, %select_n3A_36, %reduce_sum3A_37 [0] : vector<12x2048xf32> to vector<2048xf32>
    %broadcast_in_dim3A_39 = vector.shape_cast %reduce_sum3A_38 : vector<2048xf32> to vector<1x2048xf32>
    %eq3A_40 = arith.constant 4 : i32
    %eq3A_41 = vector.broadcast %eq3A_40 : i32 to vector<12x2048xi32>
    %eq3A_42 = arith.cmpi eq, %get3A_1, %eq3A_41 : vector<12x2048xi32>
    %jit3A_43 = arith.constant 0.000000e+00 : f32
    %broadcast_in_dim3A_44 = vector.broadcast %jit3A_43 : f32 to vector<12x2048xf32>
    %select_n3A_45 = arith.select %eq3A_42, %min3A_7, %broadcast_in_dim3A_44 : vector<12x2048xi1>, vector<12x2048xf32>
    %reduce_sum3A_46 = arith.constant dense<0.000000e+00> : vector<2048xf32>
    %reduce_sum3A_47 = vector.multi_reduction <add>, %select_n3A_45, %reduce_sum3A_46 [0] : vector<12x2048xf32> to vector<2048xf32>
    %broadcast_in_dim3A_48 = vector.shape_cast %reduce_sum3A_47 : vector<2048xf32> to vector<1x2048xf32>
    %eq3A_49 = arith.constant 5 : i32
    %eq3A_50 = vector.broadcast %eq3A_49 : i32 to vector<12x2048xi32>
    %eq3A_51 = arith.cmpi eq, %get3A_1, %eq3A_50 : vector<12x2048xi32>
    %jit3A_52 = arith.constant 0.000000e+00 : f32
    %broadcast_in_dim3A_53 = vector.broadcast %jit3A_52 : f32 to vector<12x2048xf32>
    %select_n3A_54 = arith.select %eq3A_51, %min3A_7, %broadcast_in_dim3A_53 : vector<12x2048xi1>, vector<12x2048xf32>
    %reduce_sum3A_55 = arith.constant dense<0.000000e+00> : vector<2048xf32>
    %reduce_sum3A_56 = vector.multi_reduction <add>, %select_n3A_54, %reduce_sum3A_55 [0] : vector<12x2048xf32> to vector<2048xf32>
    %broadcast_in_dim3A_57 = vector.shape_cast %reduce_sum3A_56 : vector<2048xf32> to vector<1x2048xf32>
    %eq3A_58 = arith.constant 6 : i32
    %eq3A_59 = vector.broadcast %eq3A_58 : i32 to vector<12x2048xi32>
    %eq3A_60 = arith.cmpi eq, %get3A_1, %eq3A_59 : vector<12x2048xi32>
    %jit3A_61 = arith.constant 0.000000e+00 : f32
    %broadcast_in_dim3A_62 = vector.broadcast %jit3A_61 : f32 to vector<12x2048xf32>
    %select_n3A_63 = arith.select %eq3A_60, %min3A_7, %broadcast_in_dim3A_62 : vector<12x2048xi1>, vector<12x2048xf32>
    %reduce_sum3A_64 = arith.constant dense<0.000000e+00> : vector<2048xf32>
    %reduce_sum3A_65 = vector.multi_reduction <add>, %select_n3A_63, %reduce_sum3A_64 [0] : vector<12x2048xf32> to vector<2048xf32>
    %broadcast_in_dim3A_66 = vector.shape_cast %reduce_sum3A_65 : vector<2048xf32> to vector<1x2048xf32>
    %eq3A_67 = arith.constant 7 : i32
    %eq3A_68 = vector.broadcast %eq3A_67 : i32 to vector<12x2048xi32>
    %eq3A_69 = arith.cmpi eq, %get3A_1, %eq3A_68 : vector<12x2048xi32>
    %jit3A_70 = arith.constant 0.000000e+00 : f32
    %broadcast_in_dim3A_71 = vector.broadcast %jit3A_70 : f32 to vector<12x2048xf32>
    %select_n3A_72 = arith.select %eq3A_69, %min3A_7, %broadcast_in_dim3A_71 : vector<12x2048xi1>, vector<12x2048xf32>
    %reduce_sum3A_73 = arith.constant dense<0.000000e+00> : vector<2048xf32>
    %reduce_sum3A_74 = vector.multi_reduction <add>, %select_n3A_72, %reduce_sum3A_73 [0] : vector<12x2048xf32> to vector<2048xf32>
    %broadcast_in_dim3A_75 = vector.shape_cast %reduce_sum3A_74 : vector<2048xf32> to vector<1x2048xf32>
    %eq3A_76 = arith.constant 8 : i32
    %eq3A_77 = vector.broadcast %eq3A_76 : i32 to vector<12x2048xi32>
    %eq3A_78 = arith.cmpi eq, %get3A_1, %eq3A_77 : vector<12x2048xi32>
    %jit3A_79 = arith.constant 0.000000e+00 : f32
    %broadcast_in_dim3A_80 = vector.broadcast %jit3A_79 : f32 to vector<12x2048xf32>
    %select_n3A_81 = arith.select %eq3A_78, %min3A_7, %broadcast_in_dim3A_80 : vector<12x2048xi1>, vector<12x2048xf32>
    %reduce_sum3A_82 = arith.constant dense<0.000000e+00> : vector<2048xf32>
    %reduce_sum3A_83 = vector.multi_reduction <add>, %select_n3A_81, %reduce_sum3A_82 [0] : vector<12x2048xf32> to vector<2048xf32>
    %broadcast_in_dim3A_84 = vector.shape_cast %reduce_sum3A_83 : vector<2048xf32> to vector<1x2048xf32>
    %eq3A_85 = arith.constant 9 : i32
    %eq3A_86 = vector.broadcast %eq3A_85 : i32 to vector<12x2048xi32>
    %eq3A_87 = arith.cmpi eq, %get3A_1, %eq3A_86 : vector<12x2048xi32>
    %jit3A_88 = arith.constant 0.000000e+00 : f32
    %broadcast_in_dim3A_89 = vector.broadcast %jit3A_88 : f32 to vector<12x2048xf32>
    %select_n3A_90 = arith.select %eq3A_87, %min3A_7, %broadcast_in_dim3A_89 : vector<12x2048xi1>, vector<12x2048xf32>
    %reduce_sum3A_91 = arith.constant dense<0.000000e+00> : vector<2048xf32>
    %reduce_sum3A_92 = vector.multi_reduction <add>, %select_n3A_90, %reduce_sum3A_91 [0] : vector<12x2048xf32> to vector<2048xf32>
    %broadcast_in_dim3A_93 = vector.shape_cast %reduce_sum3A_92 : vector<2048xf32> to vector<1x2048xf32>
    %eq3A_94 = arith.constant 10 : i32
    %eq3A_95 = vector.broadcast %eq3A_94 : i32 to vector<12x2048xi32>
    %eq3A_96 = arith.cmpi eq, %get3A_1, %eq3A_95 : vector<12x2048xi32>
    %jit3A_97 = arith.constant 0.000000e+00 : f32
    %broadcast_in_dim3A_98 = vector.broadcast %jit3A_97 : f32 to vector<12x2048xf32>
    %select_n3A_99 = arith.select %eq3A_96, %min3A_7, %broadcast_in_dim3A_98 : vector<12x2048xi1>, vector<12x2048xf32>
    %reduce_sum3A_100 = arith.constant dense<0.000000e+00> : vector<2048xf32>
    %reduce_sum3A_101 = vector.multi_reduction <add>, %select_n3A_99, %reduce_sum3A_100 [0] : vector<12x2048xf32> to vector<2048xf32>
    %broadcast_in_dim3A_102 = vector.shape_cast %reduce_sum3A_101 : vector<2048xf32> to vector<1x2048xf32>
    %eq3A_103 = arith.constant 11 : i32
    %eq3A_104 = vector.broadcast %eq3A_103 : i32 to vector<12x2048xi32>
    %eq3A_105 = arith.cmpi eq, %get3A_1, %eq3A_104 : vector<12x2048xi32>
    %jit3A_106 = arith.constant 0.000000e+00 : f32
    %broadcast_in_dim3A_107 = vector.broadcast %jit3A_106 : f32 to vector<12x2048xf32>
    %select_n3A_108 = arith.select %eq3A_105, %min3A_7, %broadcast_in_dim3A_107 : vector<12x2048xi1>, vector<12x2048xf32>
    %reduce_sum3A_109 = arith.constant dense<0.000000e+00> : vector<2048xf32>
    %reduce_sum3A_110 = vector.multi_reduction <add>, %select_n3A_108, %reduce_sum3A_109 [0] : vector<12x2048xf32> to vector<2048xf32>
    %broadcast_in_dim3A_111 = vector.shape_cast %reduce_sum3A_110 : vector<2048xf32> to vector<1x2048xf32>
    %broadcast_in_dim3A_112 = arith.constant 0.000000e+00 : f32
    %broadcast_in_dim3A_113 = vector.broadcast %broadcast_in_dim3A_112 : f32 to vector<4x2048xf32>
    %concatenate3A = tpu.concatenate %broadcast_in_dim3A_12, %broadcast_in_dim3A_21, %broadcast_in_dim3A_30, %broadcast_in_dim3A_39, %broadcast_in_dim3A_48, %broadcast_in_dim3A_57, %broadcast_in_dim3A_66, %broadcast_in_dim3A_75, %broadcast_in_dim3A_84, %broadcast_in_dim3A_93, %broadcast_in_dim3A_102, %broadcast_in_dim3A_111, %broadcast_in_dim3A_113 in 0 : vector<1x2048xf32>, vector<1x2048xf32>, vector<1x2048xf32>, vector<1x2048xf32>, vector<1x2048xf32>, vector<1x2048xf32>, vector<1x2048xf32>, vector<1x2048xf32>, vector<1x2048xf32>, vector<1x2048xf32>, vector<1x2048xf32>, vector<1x2048xf32>, vector<4x2048xf32> -> vector<16x2048xf32>
    %get3A_114 = arith.constant 0 : index
    %get3A_115 = arith.constant 0 : index
    %get3A_116 = vector.load %arg3[%get3A_114, %get3A_115] : memref<16x64xf32, #tpu.memory_space<vmem>>, vector<16x64xf32>
    %get3A_117 = arith.constant 0 : index
    %get3A_118 = arith.constant 0 : index
    %get3A_119 = vector.load %arg4[%get3A_117, %get3A_118] : memref<64x768xf32, #tpu.memory_space<vmem>>, vector<64x768xf32>
    %dot_general3A = arith.constant dense<0.000000e+00> : vector<16x768xf32>
    %dot_general3A_120 = tpu.matmul %get3A_116, %get3A_119, %dot_general3A {dimension_numbers = #tpu.dot_dimension_numbers<[1], [0], [0], [1], [0, 0, 1, 1], [], []>, transpose_lhs_hint = false} : vector<16x64xf32>, vector<64x768xf32>, vector<16x768xf32> -> vector<16x768xf32>
    %dot_general3A_121 = arith.constant dense<0.000000e+00> : vector<2048x768xf32>
    %dot_general3A_122 = tpu.matmul %concatenate3A, %dot_general3A_120, %dot_general3A_121 {dimension_numbers = #tpu.dot_dimension_numbers<[0], [0], [1], [1], [0, 1, 1, 1], [], []>, transpose_lhs_hint = false} : vector<16x2048xf32>, vector<16x768xf32>, vector<2048x768xf32> -> vector<2048x768xf32>
    %get3A_123 = arith.constant 0 : index
    %get3A_124 = arith.constant 0 : index
    %get3A_125 = vector.load %arg5[%get3A_123, %get3A_124] : memref<1x768xf32, #tpu.memory_space<vmem>>, vector<1x768xf32>
    %add3A = vector.broadcast %get3A_125 : vector<1x768xf32> to vector<2048x768xf32>
    %add3A_126 = arith.addf %dot_general3A_122, %add3A : vector<2048x768xf32>
    %swap3A = arith.constant 0 : index
    %swap3A_127 = arith.constant 0 : index
    %swap3A_128 = vector.load %arg6[%swap3A, %swap3A_127] : memref<2048x768xf32, #tpu.memory_space<vmem>>, vector<2048x768xf32>
    tpu.vector_store %arg6[%swap3A, %swap3A_127], %add3A_126 {strides = array<i32>} : memref<2048x768xf32, #tpu.memory_space<vmem>>, vector<2048x768xf32>,
    return
  }
  func.func @transform_0(%arg0: i32) -> (i32, i32) {
    %c0_i32 = arith.constant 0 : i32
    %c0_i32_0 = arith.constant 0 : i32
    return %c0_i32, %arg0 : i32, i32
  }
  func.func @transform_1(%arg0: i32) -> (i32, i32) {
    %c0_i32 = arith.constant 0 : i32
    %c0_i32_0 = arith.constant 0 : i32
    return %c0_i32, %arg0 : i32, i32
  }
  func.func @transform_2(%arg0: i32) -> (i32, i32) {
    %c0_i32 = arith.constant 0 : i32
    %c0_i32_0 = arith.constant 0 : i32
    %c0_i32_1 = arith.constant 0 : i32
    return %c0_i32, %c0_i32_0 : i32, i32
  }
  func.func @transform_3(%arg0: i32) -> (i32, i32) {
    %c0_i32 = arith.constant 0 : i32
    %c0_i32_0 = arith.constant 0 : i32
    %c0_i32_1 = arith.constant 0 : i32
    return %c0_i32, %c0_i32_0 : i32, i32
  }
  func.func @transform_4(%arg0: i32) -> (i32, i32) {
    %c0_i32 = arith.constant 0 : i32
    %c0_i32_0 = arith.constant 0 : i32
    %c0_i32_1 = arith.constant 0 : i32
    return %c0_i32, %c0_i32_0 : i32, i32
  }
  func.func @transform_5(%arg0: i32) -> (i32, i32) {
    %c0_i32 = arith.constant 0 : i32
    %c0_i32_0 = arith.constant 0 : i32
    return %arg0, %c0_i32 : i32, i32
  }
}

</mosaic_0001>

<sc_bundles>
// kernel: _run.5.cloned.1.call-start
scs
__scs_entry_jumppad:
0x0: {  	(pc) =	sbr.rel $0x88, $3  }
0x1: {  	(tag) =	ssettag $0x0;
	lr =	simm.s32 $0x1  }
0x2: {  	[smem:$0x3F9C] =	sst lr;
	_ =	strace $0xD0000000  }
0x3: {  	_ = 	snop  }
0x4: {  	_ = 	snop  }
0x5: {  	_ = 	snop  }
0x6: {  	_ = 	snop  }
0x7: {  	_ = 	snop  }
__scs_overlays_trampoline_lowered:
0x8: {  	[smem:$0x3FAB] =	sst s0  }
0x9: {  	[smem:$0x3FAC] =	sst s1  }
0xa: {  	[smem:$0x3FAD] =	sst s2  }
0xb: {  	[smem:$0x3FAE] =	sst s3  }
0xc: {  	[smem:$0x3FAF] =	sst s4  }
0xd: {  	[smem:$0x3FB0] =	sst s5  }
0xe: {  	[smem:$0x3FB1] =	sst s6  }
0xf: {  	[smem:$0x3FB2] =	sst s7  }
0x10: {  	[smem:$0x3FB3] =	sst s8  }
0x11: {  	[smem:$0x3FB4] =	sst s9;
	s0 =	simm.s32 @!p0 $0x0  }
0x12: {  	s1 =	sld [smem:$0x3F9A];
	s0 =	simm.s32 @p0 $0x1  }
0x13: {  	[smem:$0x3FB5] =	sst s0;
	s0 =	simm.s32 @!p1 $0x0  }
0x14: {  	s2 =	sld [smem:$0x3F99];
	s0 =	simm.s32 @p1 $0x1  }
0x15: {  	[smem:$0x3FB6] =	sst s0;
	s0 =	simm.s32 @!p2 $0x0  }
0x16: {  	s3 =	sld [smem:$0x3FDB];
	s0 =	simm.s32 @p2 $0x1  }
0x17: {  	s4 =	simm.s32 $0x1BF5;
	[smem:$0x3FB8] =	sst s0  }
0x18: {  	s0 =	sld [smem:$0x3F9B];
	_ =	swait.ge [sflag:s4], $0x0  }
0x19: {  	s7 =	sld [smem:$0x3F9C]  }
0x1a: {  	s8 =	sadd.s32 $0xFFFFE003, lr  }
0x1b: {  	s9 =	sadd.s32 $0xFFFFFEF7, lr;
	s5 =	simm.s32 $0xFFFFFFFF;
	p2 =	slt.u32 s8, $0xFFFFF086  }
0x1c: {  	p1 =	slt.u32 s9, $0xF7A;
	s5 =	simm.s32 @!p2 $0x0  }
0x1d: {  	s5 =	simm.s32 @p1 $0x1;
	p0 =	seq.s32 s7, s2  }
0x1e: {  	s7 =	smul.u32 @!p0 $0xF7A, s2;
	p2 =	seq.s32 @!p0 s5, $0x0  }
0x1f: {  	s9 =	smul.u32 $0xF7A, s1;
	s8 =	simm.s32 @!p0 $0x1BF5;
	p2 =	por !p2, p0  }
0x20: {  	[sflag:s8] =	ssyncset.s32 @!p0 $0xFFFFF086;
	s6 =	sadd.s32 @!p0 s3, s7;
	s7 =	simm.s32 @!p0 $0x108  }
0x21: {  	s3 =	sadd.s32 s3, s9;
	s6 =	sadd.s32 @!p0 $0x88, s6;
	s7 =	simm.s32 @p2 $0x1082  }
0x22: {  	[simem:s7], [sflag:s8] =	dma.local @!p0 [hbm:s6], $0xF7A  }
0x23: {  	s9 =	sor.u32 $0xD0000000, s2;
	s6 =	simm.s32 $0x108;
	_ =	swait.ge @!p0 [sflag:s8], $0x0  }
0x24: {  	s3 =	sadd.s32 $0x88, s3;
	s6 =	simm.s32 @!p1 $0x1082;
	[sflag:s4] =	ssyncset.s32 $0xFFFFF086  }
0x25: {  	[simem:s6], [sflag:s4] =	dma.local [hbm:s3], $0xF7A  }
0x26: {  	[smem:$0x3F9C] =	sst s1;
	(tag) =	ssettag s2;
	_ =	strace s9  }
0x27: {  	s1 =	sld [smem:$0x3FAC]  }
0x28: {  	s2 =	sld [smem:$0x3FAD]  }
0x29: {  	s4 =	sld [smem:$0x3FAF]  }
0x2a: {  	p0 =	seq.s32 s5, $0x0;
	s5 =	sld [smem:$0x3FB0]  }
0x2b: {  	s6 =	sld [smem:$0x3FB1]  }
0x2c: {  	s7 =	sld [smem:$0x3FB2]  }
0x2d: {  	s3 =	simm.s32 $0x108;
	s8 =	sld [smem:$0x3FB3]  }
0x2e: {  	s3 =	simm.s32 @!p0 $0x1082;
	s9 =	sld [smem:$0x3FB4]  }
0x2f: {  	lr =	sadd.s32 s0, s3;
	s0 =	sld [smem:$0x3FAB]  }
0x30: {  	s3 =	sld [smem:$0x3FAE]  }
0x31: {  	[smem:$0x3FB7] =	sst s10  }
0x32: {  	s10 =	sld [smem:$0x3FB5];
	_ =	sdelay $0x3  }
0x33: {  	p0 =	seq.s32 s10, $0x1;
	s10 =	sld [smem:$0x3FB7];
	_ =	sdelay $0x3  }
0x34: {  	[smem:$0x3FB7] =	sst s10  }
0x35: {  	s10 =	sld [smem:$0x3FB6];
	_ =	sdelay $0x3  }
0x36: {  	p1 =	seq.s32 s10, $0x1;
	s10 =	sld [smem:$0x3FB7];
	_ =	sdelay $0x3  }
0x37: {  	[smem:$0x3FB7] =	sst s10  }
0x38: {  	s10 =	sld [smem:$0x3FB8]  }
0x39: {  	_ = 	snop;
	(pc) =	sbr.ind lr, $3  }
0x3a: {  	_ = 	snop  }
0x3b: {  	_ = 	snop  }
0x3c: {  	p2 =	seq.s32 s10, $0x1;
	s10 =	sld [smem:$0x3FB7]  }
0x3d: {  	_ =	shalt  }
0x3e: {  	_ =	shalt  }
0x3f: {  	_ =	shalt  }
0x40: {  	_ =	shalt  }
0x41: {  	_ =	shalt  }
0x42: {  	_ =	shalt  }
0x43: {  	_ =	shalt  }
0x44: {  	_ =	shalt  }
0x45: {  	_ =	shalt  }
0x46: {  	_ =	shalt  }
0x47: {  	_ =	shalt  }
0x48: {  	_ =	shalt  }
0x49: {  	_ =	shalt  }
0x4a: {  	_ =	shalt  }
0x4b: {  	_ =	shalt  }
0x4c: {  	_ =	shalt  }
0x4d: {  	_ =	shalt  }
0x4e: {  	_ =	shalt  }
0x4f: {  	_ =	shalt  }
0x50: {  	_ =	shalt  }
0x51: {  	_ =	shalt  }
0x52: {  	_ =	shalt  }
0x53: {  	_ =	shalt  }
0x54: {  	_ =	shalt  }
0x55: {  	_ =	shalt  }
0x56: {  	_ =	shalt  }
0x57: {  	_ =	shalt  }
0x58: {  	_ =	shalt  }
0x59: {  	_ =	shalt  }
0x5a: {  	_ =	shalt  }
0x5b: {  	_ =	shalt  }
0x5c: {  	_ =	shalt  }
0x5d: {  	_ =	shalt  }
0x5e: {  	_ =	shalt  }
0x5f: {  	_ =	shalt  }
0x60: {  	_ =	shalt  }
0x61: {  	_ =	shalt  }
0x62: {  	_ =	shalt  }
0x63: {  	_ =	shalt  }
0x64: {  	_ =	shalt  }
0x65: {  	_ =	shalt  }
0x66: {  	_ =	shalt  }
0x67: {  	_ =	shalt  }
0x68: {  	_ =	shalt  }
0x69: {  	_ =	shalt  }
0x6a: {  	_ =	shalt  }
0x6b: {  	_ =	shalt  }
0x6c: {  	_ =	shalt  }
0x6d: {  	_ =	shalt  }
0x6e: {  	_ =	shalt  }
0x6f: {  	_ =	shalt  }
0x70: {  	_ =	shalt  }
0x71: {  	_ =	shalt  }
0x72: {  	_ =	shalt  }
0x73: {  	_ =	shalt  }
0x74: {  	_ =	shalt  }
0x75: {  	_ =	shalt  }
0x76: {  	_ =	shalt  }
0x77: {  	_ =	shalt  }
0x78: {  	_ =	shalt  }
0x79: {  	_ =	shalt  }
0x7a: {  	_ =	shalt  }
0x7b: {  	_ =	shalt  }
0x7c: {  	_ =	shalt  }
0x7d: {  	_ =	shalt  }
0x7e: {  	_ =	shalt  }
0x7f: {  	_ =	shalt  }
0x80: {  	_ =	shalt  }
0x81: {  	_ =	shalt  }
0x82: {  	_ =	shalt  }
0x83: {  	_ =	shalt  }
0x84: {  	_ =	shalt  }
0x85: {  	_ =	shalt  }
0x86: {  	_ =	shalt  }
0x87: {  	_ =	shalt  }
.Lfunc_end0:
.L_simem_size_0:
called_computation_lowered:
.L_overlay_start_0:
0x88: {  	s2 =	sld [smem:$0x3FD9]  }
0x89: {  	s3 =	sld [smem:$0x3FFE];
	_ =	sdelay $0x1  }
0x8a: {  	s1 =	srdreg.scid  }
0x8b: {  	s0 =	sand.u32 $0x1, s1  }
0x8c: {  	s17 =	sshll.u32 s0, $0xA;
	s2 =	sadd.s32 s3, s2  }
0x8d: {  	s2 =	sadd.s32 s2, s17  }
0x8e: {  	[smem:$0x3FC3] =	sst s2  }
0x8f: {  	_ = 	snop  }
0x90: {  	s2 =	sld [smem:$0x3FC9]  }
0x91: {  	s18 =	sld [smem:$0x3FC8];
	(tm) =	ssettm $0x1  }
0x92: {  	s4 =	sld [smem:$0x3FFB];
	_ =	sdelay $0x3  }
0x93: {  	_ =	strace s4  }
0x94: {  	s4 =	sld [smem:$0x3FFC];
	_ =	sdelay $0x3  }
0x95: {  	_ =	strace s4  }
0x96: {  	s4 =	sld [smem:$0x3FFD];
	_ =	sdelay $0x3  }
0x97: {  	_ =	strace s4  }
0x98: {  	_ =	strace $0x8FFFFFFF  }
0x99: {  	s19 =	sld [smem:$0x3FDB];
	_ =	sdelay $0x1  }
0x9a: {  	s5 =	simm.s32 $_scs_section_size  }
0x9b: {  	s6 =	simm.s32 $_size__tile_overlayer_lowered;
	s7 =	simm.s32 $_tile_overlayer_lowered  }
0x9c: {  	s22 =	simm.s32 $0x1BFF;
	s21 =	sshll.u32 s7, $0x1;
	s4 =	sadd.s32 s5, s19  }
0x9d: {  	s8 =	simm.s32 $0x0;
	s20 =	sshll.u32 s6, $0x1;
	s6 =	sadd.s32 s21, s4  }
0x9e: {  	[timem:s8], [sflag:s22] =	dma.local [hbm:s6], s20  }
0x9f: {  	_ =	swait.ge [sflag:s22], s20  }
0xa0: {  	s5 =	ssub.s32 $0x0, s20;
	[sflag:s22] =	ssyncset.done $0x0  }
0xa1: {  	[sflag:s22] =	ssyncadd.s32 s5;
	_ =	sdelay $0x1  }
0xa2: {  	s23 =	simm.s32 $0x1B8B  }
0xa3: {  	_ =	swait.ge [sflag:s23], $0x1  }
0xa4: {  	[sflag:s23] =	ssyncset.done $0x0  }
0xa5: {  	s25 =	simm.s32 $0x1B8E;
	s24 =	sld [smem:$0x3FFE];
	[sflag:s23] =	ssyncadd.s32 $0xFFFFFFFF  }
0xa6: {  	s26 =	simm.s32 $execute0_lowered;
	[smem:$0x3FD2] =	sst s25  }
0xa7: {  	s6 =	sshll.u32 s26, $0x1;
	_ =	strace $0x80000046;
	[dreg:$0x1] =	wrdreg $0xFFFFFFFF  }
0xa8: {  	s28 =	simm.s32 $_size_execute0_lowered;
	s4 =	sadd.s32 s4, s6;
	[dreg:$0x0] =	wrdreg $0x0  }
0xa9: {  	s6 =	sshll.u32 s28, $0x1;
	[dreg:$0x2] =	wrdreg s4  }
0xaa: {  	[dreg:$0x3] =	wrdreg s6  }
0xab: {  	[dreg:$0x4] =	wrdreg $0xC0  }
0xac: {  	_ =	task [dreg:s8], $0x5FFFF  }
0xad: {  	[dreg:$0x1] =	wrdreg $0xFFFFFFFF  }
0xae: {  	[dreg:$0x0] =	wrdreg $0x60  }
0xaf: {  	[dreg:$0x2] =	wrdreg s2  }
0xb0: {  	[dreg:$0x3] =	wrdreg s18  }
0xb1: {  	[dreg:$0x4] =	wrdreg s24  }
0xb2: {  	[dreg:$0x5] =	wrdreg $0x9  }
0xb3: {  	_ =	task.clear_ibuf [dreg:s8], $0x6FFFF;
	_ =	strace $0x90000046  }
0xb4: {  	s29 =	simm.s32 $0x9;
	_ =	strace $0x80000048  }
0xb5: {  	_ =	swait.ge [sflag:s29], $0x1  }
0xb6: {  	[sflag:s29] =	ssyncadd.s32 $0xFFFFFFFF  }
0xb7: {  	_ =	strace $0x90000048  }
0xb8: {  	_ =	sfence  }
0xb9: {  	s30 =	sld [smem:$0x0];
	_ =	sdelay $0x2  }
0xba: {  	s31 =	sshll.u32 s1, $0xD;
	s1 =	sshrl.u32 s1, $0x2  }
0xbb: {  	s3 =	sand.u32 $0x4000, s31;
	s1 =	sadd.s32 s1, s30  }
0xbc: {  	s0 =	sor.u32 s3, s0;
	s1 =	sshll.u32 s1, $0x11  }
0xbd: {  	s0 =	sor.u32 s1, s0  }
0xbe: {  	s0 =	sadd.s32 $0x8F2B, s0  }
0xbf: {  	[sflag:s0] =	ssyncadd.remote.s32 $0x1  }
0xc0: {  	_ =	sfence.sel $0xFFFF  }
0xc1: {  	[dreg:$0x0] =	wrdreg $0xFFFFFFFF;
	(pc) =	sbr.abs _section_cstart, $3  }
0xc2: {  	[dreg:$0x1] =	wrdreg $0xFFFFFFFF  }
0xc3: {  	_ =	task.clear_ibuf [dreg:s8], $0x2FFFF;
	_ =	strace $0x9FFFFFFF  }
0xc4: {  	(tm) =	ssettm $0x7FFFFFFF  }
0xc5: {  	_ =	shalt  }
tec
execute0_lowered:
.L_overlay_start_1:
0x0: {  	(tag) =	ssettag $0x1  }
0x1: {  	s4 =	rddreg [dreg:$0x0]  }
0x2: {  	s1 =	srdreg.scid;
	s5 =	rddreg [dreg:$0x1]  }
0x3: {  	s0 =	stileid.u32;
	s6 =	rddreg [dreg:$0x2];
	s7 =	simm.s32 $0x1  }
0x4: {  	s2 =	simm.s32 $0x0;
	s8 =	sand.u32 $0x1, s1;
	s30 =	sshll.u32 s0, $0x1  }
0x5: {  	s12 =	simm.s32 $0x400;
	s13 =	simm.s32 $0x800;
	s3 =	sor.u32 s8, s30  }
0x6: {  	s14 =	simm.s32 $0xC00;
	p1 =	seq.s32 s8, $0x1;
	p0 =	seq.s32 s3, $0x0  }
0x7: {  	s15 =	simm.s32 $0x1000;
	s16 =	simm.s32 $0x2;
	p0 =	por !p0, !p1  }
0x8: {  	s17 =	simm.s32 $0x0;
	[smem:$0x7FF] =	sst s2;
	p0 =	por !p0, !p0  }
0x9: {  	s1 =	rddreg [dreg:$0x3];
	_ =	strace $0x80000047;
	s7 =	simm.s32 @!p0 $0x0  }
0xa: {  	s9 =	ssub.s32 $0x2, s8;
	s8 =	sshll.u32 s8, $0x6;
	s7 =	ssub.s32 s0, s7  }
0xb: {  	s3 =	sshll.u32 s3, $0xA;
	s10 =	sshrl.u32 s9, $0x1;
	s7 =	sshll.u32 s7, $0xA  }
0xc: {  	s11 =	sadd.s32 s3, s6;
	s10 =	ssub.s32 s9, s10;
	s7 =	sadd.s32 $0x1C000, s7  }
0xd: {  	s3 =	simm.s32 $0x1;
	s9 =	sadd.s32 $0xC00, s11;
	s31 =	sshrl.u32 s7, $0x3  }
0xe: {  	v1 =	vlaneseq.u32;
	s10 =	smax.u32 s10, $0x1;
	s4 =	sadd.s32 s4, s31;
	s5 =	sadd.s32 s5, s31  }
0xf: {  	v0 =	vimm.f32 $0.0e+00;
	v1 =	vmul.u32 $0x80, v1;
	s11 =	sor.u32 $0x800, s8;
	s6 =	sadd.s32 $0x4000, s4;
	s7 =	sadd.s32 $0x4000, s5  }
.LBB2_1:
0x10: {  	[tilespmem:s2], [sflag:$0x1] =	stream.linear.gather [hbm4b:s4+s2], $0x400, $0x38;
	[tilespmem:$0x3000] =	vst v63  }
0x11: {  	_ = 	snop  }
0x12: {  	[tilespmem:s12], [sflag:$0x1] =	stream.linear.gather [hbm4b:s6+s2], $0x200, $0x38;
	[tilespmem:$0x3000] =	vst v63  }
0x13: {  	_ = 	snop  }
0x14: {  	[tilespmem:s13], [sflag:$0x1] =	stream.linear.gather [hbm4b:s5+s2], $0x400, $0x38;
	[tilespmem:$0x3000] =	vst v63  }
0x15: {  	_ = 	snop  }
0x16: {  	[tilespmem:s14], [sflag:$0x1] =	stream.linear.gather [hbm4b:s7+s2], $0x200, $0x38;
	[tilespmem:$0x3000] =	vst v63  }
0x17: {  	[tilespmem:$0x1000] =	vst v0  }
0x18: {  	[tilespmem:$0x1080] =	vst v0  }
0x19: {  	[tilespmem:$0x1100] =	vst v0  }
0x1a: {  	[tilespmem:$0x1180] =	vst v0  }
0x1b: {  	[tilespmem:$0x1200] =	vst v0  }
0x1c: {  	[tilespmem:$0x1280] =	vst v0  }
0x1d: {  	[tilespmem:$0x1300] =	vst v0  }
0x1e: {  	[tilespmem:$0x1380] =	vst v0  }
0x1f: {  	[tilespmem:$0x1400] =	vst v0  }
0x20: {  	[tilespmem:$0x1480] =	vst v0  }
0x21: {  	[tilespmem:$0x1500] =	vst v0  }
0x22: {  	[tilespmem:$0x1580] =	vst v0  }
0x23: {  	[tilespmem:$0x1600] =	vst v0  }
0x24: {  	[tilespmem:$0x1680] =	vst v0  }
0x25: {  	[tilespmem:$0x1700] =	vst v0  }
0x26: {  	[tilespmem:$0x1780] =	vst v0  }
0x27: {  	[tilespmem:$0x1800] =	vst v0  }
0x28: {  	[tilespmem:$0x1880] =	vst v0  }
0x29: {  	[tilespmem:$0x1900] =	vst v0  }
0x2a: {  	[tilespmem:$0x1980] =	vst v0  }
0x2b: {  	[tilespmem:$0x1A00] =	vst v0  }
0x2c: {  	[tilespmem:$0x1A80] =	vst v0  }
0x2d: {  	[tilespmem:$0x1B00] =	vst v0  }
0x2e: {  	[tilespmem:$0x1B80] =	vst v0  }
0x2f: {  	[tilespmem:$0x1C00] =	vst v0  }
0x30: {  	[tilespmem:$0x1C80] =	vst v0  }
0x31: {  	[tilespmem:$0x1D00] =	vst v0  }
0x32: {  	[tilespmem:$0x1D80] =	vst v0  }
0x33: {  	[tilespmem:$0x1E00] =	vst v0  }
0x34: {  	[tilespmem:$0x1E80] =	vst v0  }
0x35: {  	[tilespmem:$0x1F00] =	vst v0  }
0x36: {  	[tilespmem:$0x1F80] =	vst v0  }
0x37: {  	[tilespmem:$0x2000] =	vst v0  }
0x38: {  	[tilespmem:$0x2080] =	vst v0  }
0x39: {  	[tilespmem:$0x2100] =	vst v0  }
0x3a: {  	[tilespmem:$0x2180] =	vst v0  }
0x3b: {  	[tilespmem:$0x2200] =	vst v0  }
0x3c: {  	[tilespmem:$0x2280] =	vst v0  }
0x3d: {  	[tilespmem:$0x2300] =	vst v0  }
0x3e: {  	[tilespmem:$0x2380] =	vst v0  }
0x3f: {  	[tilespmem:$0x2400] =	vst v0  }
0x40: {  	[tilespmem:$0x2480] =	vst v0  }
0x41: {  	[tilespmem:$0x2500] =	vst v0  }
0x42: {  	[tilespmem:$0x2580] =	vst v0  }
0x43: {  	[tilespmem:$0x2600] =	vst v0  }
0x44: {  	[tilespmem:$0x2680] =	vst v0  }
0x45: {  	[tilespmem:$0x2700] =	vst v0  }
0x46: {  	[tilespmem:$0x2780] =	vst v0  }
0x47: {  	[tilespmem:$0x2800] =	vst v0  }
0x48: {  	[tilespmem:$0x2880] =	vst v0  }
0x49: {  	[tilespmem:$0x2900] =	vst v0  }
0x4a: {  	[tilespmem:$0x2980] =	vst v0  }
0x4b: {  	[tilespmem:$0x2A00] =	vst v0  }
0x4c: {  	[tilespmem:$0x2A80] =	vst v0  }
0x4d: {  	[tilespmem:$0x2B00] =	vst v0  }
0x4e: {  	[tilespmem:$0x2B80] =	vst v0  }
0x4f: {  	[tilespmem:$0x2C00] =	vst v0  }
0x50: {  	[tilespmem:$0x2C80] =	vst v0  }
0x51: {  	[tilespmem:$0x2D00] =	vst v0  }
0x52: {  	[tilespmem:$0x2D80] =	vst v0  }
0x53: {  	[tilespmem:$0x2E00] =	vst v0  }
0x54: {  	[tilespmem:$0x2E80] =	vst v0  }
0x55: {  	[tilespmem:$0x2F00] =	vst v0  }
0x56: {  	[tilespmem:$0x2F80] =	vst v0  }
0x57: {  	_ =	swait.ge [sflag:s3], $0x600  }
0x58: {  	[sflag:s3] =	ssyncset.done $0x0  }
0x59: {  	[sflag:s3] =	ssyncadd.s32 $0xFFFFFA00  }
0x5a: {  	_ =	swait.ge [sflag:s3], $0x600  }
0x5b: {  	s18 =	smov.u32 s8;
	[sflag:s3] =	ssyncset.done $0x0  }
0x5c: {  	s19 =	smov.u32 s11;
	s20 =	simm.s32 $0x0;
	[sflag:s3] =	ssyncadd.s32 $0xFFFFFA00  }
.LBB2_2:
0x5d: {  	v3 =	vmov s18  }
0x5e: {  	s21 =	sshll.u32 s20, $0x4  }
0x5f: {  	v2 =	vmov s21  }
0x60: {  	v2 =	vshll.u32 v2, $0x7  }
0x61: {  	v4 =	vmov s19;
	s22 =	simm.s32 $0x0;
	s21 =	simm.s32 $0x200;
	v2 =	vor.u32 v1, v2  }
.LBB2_3:
0x62: {  	p0 =	sne.s32 s21, $0x1600;
	v5 =	vld.idx.msk [tilespmem:v3+s22+$0x0 ss:$0x1], $0xffff;
	_ =	sdelay $0x4  }
0x63: {  	v6 =	vld.idx.msk [tilespmem:v4+s22+$0x0 ss:$0x1], $0xffff  }
0x64: {  	v7 =	vand.u32 $0xFFFFFF80, v5  }
0x65: {  	v5 =	vand.u32 $0x7F, v5;
	v7 =	vadd.s32 v2, v7  }
0x66: {  	v5 =	vor.u32 v5, v7  }
.Ltmp0:
0x67: {  	(pc) =	sbr.rel @p0 .LBB2_3-.Ltmp0, $4  }
0x68: {  	_ = 	snop  }
0x69: {  	v6 =	vmax.f32 v6, $0.0e+00  }
0x6a: {  	v6 =	vmin.f32 v6, $1.000000000e+00  }
0x6b: {  	s22 =	sshra.s32 s21, $0x2;
	s21 =	sadd.s32 $0x200, s21;
	[tilespmem:v5+s15+$0x0] =	vst.idx.add.f32.msk $0xffff, v6  }
0x6c: {  	_ =	sdelay $0x3  }
0x6d: {  	v3 =	vld.idx.msk [tilespmem:v3+s22+$0x0 ss:$0x1], $0xffff;
	_ =	sdelay $0x4  }
0x6e: {  	v4 =	vld.idx.msk [tilespmem:v4+s22+$0x0 ss:$0x1], $0xffff;
	v5 =	vand.u32 $0xFFFFFF80, v3  }
0x6f: {  	s20 =	sadd.s32 $0x1, s20;
	v3 =	vand.u32 $0x7F, v3;
	v2 =	vadd.s32 v2, v5  }
0x70: {  	p0 =	sne.s32 s20, $0x4;
	v2 =	vor.u32 v3, v2  }
.Ltmp1:
0x71: {  	_ = 	snop;
	(pc) =	sbr.rel @p0 .LBB2_2-.Ltmp1, $4  }
0x72: {  	_ = 	snop  }
0x73: {  	v3 =	vmax.f32 v4, $0.0e+00  }
0x74: {  	v3 =	vmin.f32 v3, $1.000000000e+00  }
0x75: {  	s19 =	sadd.s32 $0x10, s19;
	s18 =	sadd.s32 $0x10, s18;
	[tilespmem:v2+s15+$0x0] =	vst.idx.add.f32.msk $0xffff, v3  }
0x76: {  	s17 =	sadd.s32 $0x1, s17  }
0x77: {  	p0 =	sne.s32 s17, s10  }
.Ltmp2:
0x78: {  	_ = 	snop;
	(pc) =	sbr.rel @p0 .LBB2_1-.Ltmp2, $4  }
0x79: {  	[hbm4b:s9+s2] =	stream.linear.scatter [tilespmem:s15], [sflag:$0x2], $0x2000, $0x38;
	[tilespmem:$0x3000] =	vst v63  }
0x7a: {  	_ =	swait.ge [sflag:s16], $0x2000  }
0x7b: {  	[sflag:s16] =	ssyncset.done $0x0  }
0x7c: {  	[sflag:s16] =	ssyncadd.s32 $0xFFFFE000  }
0x7d: {  	_ =	sfence.sel $0x180000  }
0x7e: {  	[bflag:$0x0] =	sbarrier.arrive $0xFFFF  }
0x7f: {  	p0 =	sne.s32 s0, $0x0;
	_ =	strace $0x90000047  }
0x80: {  	s0 =	sadd.s32 @!p0 $0x100000, s1;
	[bflag:$0x2] =	sbarrier.arrive $0xFFFF  }
0x81: {  	[sflag:s0] =	ssyncadd.tile.s32 @!p0 $0x1;
	_ =	shalt  }
.Lfunc_end2:
_tile_overlayer_lowered:
.L_overlay_start_2:
0x82: {  	(tag) =	ssettag $0x2  }
0x83: {  	s0 =	rddreg [dreg:$0x0];
	s2 =	stileid.u32  }
0x84: {  	s1 =	rddreg [dreg:$0x1];
	p0 =	sne.s32 s2, $0x0  }
0x85: {  	s3 =	rddreg [dreg:$0x2];
	[bflag:$0x3] =	sbarrier.arrive $0xFFFF;
	s2 =	simm.s32 @!p0 $0x1C02  }
0x86: {  	[timem:s3], [sflag:s2] =	dma.local @!p0 [hbm:s0], s1  }
0x87: {  	s0 =	simm.s32 @!p0 $0x2  }
0x88: {  	_ =	swait.ge @!p0 [sflag:s0], s1  }
0x89: {  	s1 =	ssub.s32 @!p0 $0x0, s1;
	[sflag:s0] =	ssyncset.done @!p0 $0x0  }
0x8a: {  	[sflag:s0] =	ssyncadd.s32 @!p0 s1  }
0x8b: {  	[bflag:$0x3] =	sbarrier.arrive $0xFFFF  }
0x8c: {  	_ =	shalt  }

</sc_bundles>
